<compile_context>
chip_gen: v7x
topology: tpu7x:2x2x1
jax: 0.10.2.dev20260603
libtpu: 0.0.44.dev20260713+nightly
codegen_flags: <defaults>
</compile_context>

<pallas_src>
import jax
import jax.numpy as jnp
import numpy as np
from jax import lax
from jax.experimental import pallas as pl
from jax.experimental.pallas import tpu as pltpu
from jax.experimental.pallas import tpu_sc as plsc

N = 10000
E = 160000
D_IN = 32
D_OUT = 32
D_EDGE = 16
HID = 1024
WPAD = 128
W48 = 48
CCOL = D_OUT

NC = 2
NS = 16
NW = NC * NS

ROWS_W = E // NW
CHUNK = 125
CHUNKS_W = ROWS_W // CHUNK
OUTER = 10
INNER = CHUNKS_W // OUTER


def _mesh():
    return plsc.VectorSubcoreMesh(core_axis_name="c", subcore_axis_name="s",
                                  num_cores=NC, num_subcores=NS)


def _gather_body(x_hbm, srcm_hbm, out_hbm, idx_v, row_v, sem):
    wid = lax.axis_index("s") * NC + lax.axis_index("c")
    pltpu.sync_copy(srcm_hbm.at[pl.ds(wid * CHUNKS_W, CHUNKS_W)], idx_v)

    def body(j, carry):
        pltpu.async_copy(x_hbm.at[idx_v.at[j]], row_v, sem).wait()
        pltpu.sync_copy(row_v,
                        out_hbm.at[pl.ds(wid * ROWS_W + j * CHUNK, CHUNK)])
        return carry

    lax.fori_loop(0, CHUNKS_W, body, 0)


@jax.jit
def _sc_gather(x, src_m):
    return pl.kernel(
        _gather_body,
        out_type=jax.ShapeDtypeStruct((E, D_IN), jnp.float32),
        mesh=_mesh(),
        scratch_types=[
            pltpu.VMEM((CHUNKS_W, CHUNK), jnp.int32),
            pltpu.VMEM((CHUNK, D_IN), jnp.float32),
            pltpu.SemaphoreType.DMA,
        ],
        compiler_params=pltpu.CompilerParams(use_tc_tiling_on_sc=False),
    )(x, src_m)


def _scatter_body(msg_hbm, dstm_hbm, zero_hbm, out0_hbm, out1_hbm,
                  idx_v, msg_v, acc_sh):
    cid = lax.axis_index("c")
    sid = lax.axis_index("s")
    wid = sid * NC + cid

    @pl.when(sid == 0)
    def _():
        pltpu.sync_copy(zero_hbm, acc_sh)

    plsc.subcore_barrier()

    pltpu.sync_copy(dstm_hbm.at[pl.ds(wid * CHUNKS_W, CHUNKS_W)], idx_v)

    def outer(c, carry):
        pltpu.sync_copy(
            msg_hbm.at[pl.ds(wid * ROWS_W + c * (INNER * CHUNK),
                             INNER * CHUNK), pl.ds(0, W48)], msg_v)

        def inner(j, carry2):
            pltpu.sync_copy(msg_v.at[pl.ds(j * CHUNK, CHUNK)],
                            acc_sh.at[idx_v.at[c * INNER + j]], add=True)
            return carry2

        lax.fori_loop(0, INNER, inner, 0)
        return carry

    lax.fori_loop(0, OUTER, outer, 0)
    plsc.subcore_barrier()

    rows0 = sid * (N // NS)

    @pl.when(cid == 0)
    def _():
        pltpu.sync_copy(acc_sh.at[pl.ds(rows0, N // NS)],
                        out0_hbm.at[pl.ds(rows0, N // NS), pl.ds(0, W48)])

    @pl.when(cid == 1)
    def _():
        pltpu.sync_copy(acc_sh.at[pl.ds(rows0, N // NS)],
                        out1_hbm.at[pl.ds(rows0, N // NS), pl.ds(0, W48)])


@jax.jit
def _sc_scatter(msg, dst_m, zeros_acc):
    return pl.kernel(
        _scatter_body,
        out_type=(jax.ShapeDtypeStruct((N, WPAD), jnp.float32),
                  jax.ShapeDtypeStruct((N, WPAD), jnp.float32)),
        mesh=_mesh(),
        scratch_types=[
            pltpu.VMEM((CHUNKS_W, CHUNK), jnp.int32),
            pltpu.VMEM((INNER * CHUNK, W48), jnp.float32),
            pltpu.VMEM_SHARED((N, W48), jnp.float32),
        ],
        compiler_params=pltpu.CompilerParams(use_tc_tiling_on_sc=False),
    )(msg, dst_m, zeros_acc)


TE = 3200


def _edge_body(ea_ref, xj_ref, w1_ref, b1_ref, w2_ref,
               r_ref, s_ref, b2m_ref, c_ref, out_ref):
    h = jnp.dot(ea_ref[...].astype(jnp.bfloat16), w1_ref[...],
                preferred_element_type=jnp.float32)
    h = h + b1_ref[...]
    h = jnp.maximum(h, 0.01 * h)
    w = jnp.dot(h.astype(jnp.bfloat16), w2_ref[...],
                preferred_element_type=jnp.float32)
    p = xj_ref[...]
    xjb = jnp.concatenate(
        [p[:, q * D_IN:(q + 1) * D_IN] for q in range(4)],
        axis=0).astype(jnp.bfloat16)
    xr = jnp.dot(xjb, r_ref[...],
                 preferred_element_type=jnp.float32)
    msg = jnp.dot((xr * w).astype(jnp.bfloat16), s_ref[...],
                  preferred_element_type=jnp.float32)
    out_ref[...] = msg + jnp.dot(xjb, b2m_ref[...],
                                 preferred_element_type=jnp.float32) + c_ref[...]


_R_EXPAND = np.zeros((D_IN, HID), dtype=np.float32)
for _i in range(D_IN):
    _R_EXPAND[_i, _i * D_OUT:(_i + 1) * D_OUT] = 1.0
_S_SELECT = np.zeros((HID, WPAD), dtype=np.float32)
for _i in range(D_IN):
    for _o in range(D_OUT):
        _S_SELECT[_i * D_OUT + _o, _o] = 1.0
_C_ONES = np.zeros((1, WPAD), dtype=np.float32)
_C_ONES[0, CCOL] = 1.0

_SRC_PERM = (np.arange(E, dtype=np.int32)
             .reshape(E // TE, 4, TE // 4)
             .transpose(0, 2, 1).reshape(E))


@jax.jit
def _tc_edge(ea, xj, W1, b1, W2, b2):
    grid = (E // TE,)
    return pl.pallas_call(
        _edge_body,
        grid=grid,
        in_specs=[
            pl.BlockSpec((TE, D_EDGE), lambda i: (i, 0)),
            pl.BlockSpec((TE // 4, WPAD), lambda i: (i, 0)),
            pl.BlockSpec((D_EDGE, HID), lambda i: (0, 0)),
            pl.BlockSpec((1, HID), lambda i: (0, 0)),
            pl.BlockSpec((HID, HID), lambda i: (0, 0)),
            pl.BlockSpec((D_IN, HID), lambda i: (0, 0)),
            pl.BlockSpec((HID, WPAD), lambda i: (0, 0)),
            pl.BlockSpec((D_IN, WPAD), lambda i: (0, 0)),
            pl.BlockSpec((1, WPAD), lambda i: (0, 0)),
        ],
        out_specs=pl.BlockSpec((TE, WPAD), lambda i: (i, 0)),
        out_shape=jax.ShapeDtypeStruct((E, WPAD), jnp.float32),
        compiler_params=pltpu.CompilerParams(
            dimension_semantics=("arbitrary",)),
    )(ea, xj, W1.astype(jnp.bfloat16),
      b1.reshape(1, HID),
      W2.astype(jnp.bfloat16),
      jnp.asarray(_R_EXPAND, dtype=jnp.bfloat16),
      jnp.asarray(_S_SELECT, dtype=jnp.bfloat16),
      jnp.pad(b2.reshape(D_IN, D_OUT),
              ((0, 0), (0, WPAD - D_OUT))).astype(jnp.bfloat16),
      jnp.asarray(_C_ONES))


def _finish_body(p0_ref, p1_ref, x_ref, root_ref, cb_ref, g_ref, b_ref,
                 out_ref):
    p = p0_ref[...] + p1_ref[...]
    agg = p[:, :D_OUT] / jnp.maximum(p[:, CCOL:CCOL + 1], 1.0)
    pre = agg + jnp.dot(x_ref[...], root_ref[...],
                        preferred_element_type=jnp.float32) + cb_ref[...]
    mean = jnp.mean(pre, axis=0, keepdims=True)
    cen = pre - mean
    var = jnp.mean(cen * cen, axis=0, keepdims=True)
    out_ref[...] = cen * lax.rsqrt(var + 1e-5) * g_ref[...] + b_ref[...]


@jax.jit
def _tc_finish(p0, p1, x, root, conv_bias, gamma, beta):
    return pl.pallas_call(
        _finish_body,
        out_shape=jax.ShapeDtypeStruct((N, D_OUT), jnp.float32),
    )(p0, p1, x, root, conv_bias.reshape(1, D_OUT),
      gamma.reshape(1, D_OUT), beta.reshape(1, D_OUT))


def kernel(x, edge_index, edge_attr, W1, b1, W2, b2, root, conv_bias,
           gamma, beta):
    src = edge_index[0].astype(jnp.int32)
    dst_m = edge_index[1].astype(jnp.int32).reshape(NW * CHUNKS_W, CHUNK)

    src_g = jnp.take(src, jnp.asarray(_SRC_PERM),
                     axis=0).reshape(NW * CHUNKS_W, CHUNK)

    xj = _sc_gather(x, src_g)
    msg = _tc_edge(edge_attr, xj.reshape(E // 4, WPAD), W1, b1, W2, b2)
    zeros_acc = jnp.zeros((N, W48), jnp.float32)
    p0, p1 = _sc_scatter(msg, dst_m, zeros_acc)
    return _tc_finish(p0, p1, x, root, conv_bias, gamma, beta)

# --- scband reference (transcript-rebuilt; emitter-appended) ---
"""Pipeline reference for scband-gcnwith-edge-8899172237731 (READ-ONLY COPY).

The authoritative reference and input builder live on the scoring server;
editing this copy changes nothing except your own understanding.
"""

import jax, jax.numpy as jnp
import numpy as np

N = 10000
E = 160000
D_IN = 32
D_OUT = 32
D_EDGE = 16
HID = D_IN * D_OUT  # 1024


def setup_inputs(seed: int = 0) -> dict:
    key = jax.random.key(seed)
    ks = jax.random.split(key, 12)
    x = jax.random.normal(ks[0], (N, D_IN), dtype=jnp.float32)
    edge_index = jax.random.randint(ks[1], (2, E), 0, N)
    edge_attr = jax.random.normal(ks[2], (E, D_EDGE), dtype=jnp.float32)
    # edge-MLP params (xavier-ish init, second layer gain=0.01 like the torch module)
    W1 = jax.random.normal(ks[3], (D_EDGE, HID), dtype=jnp.float32) * np.sqrt(2.0 / (D_EDGE + HID))
    b1 = jnp.zeros((HID,), dtype=jnp.float32)
    W2 = jax.random.normal(ks[4], (HID, HID), dtype=jnp.float32) * (0.01 * np.sqrt(2.0 / (HID + HID)))
    b2 = jnp.zeros((HID,), dtype=jnp.float32)
    # NNConv root weight + bias
    root = jax.random.normal(ks[5], (D_IN, D_OUT), dtype=jnp.float32) * np.sqrt(1.0 / D_IN)
    conv_bias = jnp.zeros((D_OUT,), dtype=jnp.float32)
    # BatchNorm affine params
    gamma = jnp.ones((D_OUT,), dtype=jnp.float32)
    beta = jnp.zeros((D_OUT,), dtype=jnp.float32)
    return {
        'x': x, 'edge_index': edge_index, 'edge_attr': edge_attr,
        'W1': W1, 'b1': b1, 'W2': W2, 'b2': b2,
        'root': root, 'conv_bias': conv_bias, 'gamma': gamma, 'beta': beta,
    }


def _leaky_relu(v, slope=0.01):
    return jnp.where(v >= 0, v, slope * v)


def reference(x, edge_index, edge_attr, W1, b1, W2, b2, root, conv_bias, gamma, beta):
    # edge network h_Theta: edge_attr -> [E, in*out]
    h = edge_attr @ W1 + b1
    h = _leaky_relu(h, 0.01)
    w_e = (h @ W2 + b2).reshape(E, D_IN, D_OUT)
    src = edge_index[0]
    dst = edge_index[1]
    # message: x_j (source) transformed by per-edge weight matrix
    xj = jnp.take(x, src, axis=0)
    msg = jnp.einsum('ei,eio->eo', xj, w_e)
    # mean aggregation at destination nodes
    agg_sum = jax.ops.segment_sum(msg, dst, num_segments=N)
    cnt = jax.ops.segment_sum(jnp.ones((E,), dtype=jnp.float32), dst, num_segments=N)
    agg = agg_sum / jnp.maximum(cnt, 1.0)[:, None]
    # root transform + bias (NNConv root_weight=True, bias=True)
    out = agg + x @ root + conv_bias
    # BatchNorm1d in training mode (batch statistics, biased variance, eps=1e-5)
    mean = out.mean(axis=0)
    var = out.var(axis=0)
    out = (out - mean) / jnp.sqrt(var + 1e-5) * gamma + beta
    return out

if __name__ == "__main__":
    import jax
    _d = setup_inputs()
    print(jax.jit(kernel)(*tuple(_d.values())))

</pallas_src>

<mosaic_0001>
#map = affine_map<(d0, d1) -> (0, 0)>
module attributes {stable_mosaic.version = 14 : i64} {
  func.func @_gather_body(%arg0: i32, %arg1: i32, %arg2: memref<10000x32xf32, #tpu.memory_space<hbm>>, %arg3: memref<1280x125xi32, #tpu.memory_space<hbm>>, %arg4: memref<160000x32xf32, #tpu.memory_space<hbm>>, %arg5: memref<40x125xi32, #tpu.memory_space<vmem>>, %arg6: memref<125x32xf32, #tpu.memory_space<vmem>>, %arg7: memref<!tpu.dma_semaphore, #tpu.memory_space<semaphore_mem>>) attributes {dimension_semantics = [#tpu.dimension_semantics<core_parallel>, #tpu.dimension_semantics<subcore_parallel>], iteration_bounds = array<i64: 2, 16>, scalar_prefetch = 0 : i64, scratch_operands = 3 : i64, tpu.core_type = #tpu.core_type<sc_vector_subcore>, window_params = [{transform_indices = #map}, {transform_indices = #map}, {transform_indices = #map}]} {
    %mul3A = arith.constant 2 : i32
    %mul3A_0 = arith.muli %arg1, %mul3A : i32
    %add3A = arith.addi %mul3A_0, %arg0 : i32
    %mul3A_1 = arith.constant 40 : i32
    %mul3A_2 = arith.muli %add3A, %mul3A_1 : i32
    "tpu.region"() ({
      %run_scoped3A = tpu.sem_alloc : memref<!tpu.dma_semaphore, #tpu.memory_space<semaphore_mem>>
      %dma_start3A = arith.constant 0 : i32
      %dma_start3A_8 = tpu.memref_slice %arg3[%mul3A_2, %dma_start3A] : memref<1280x125xi32, #tpu.memory_space<hbm>> -> memref<40x125xi32, #tpu.memory_space<hbm>>
      %dma_start3A_9 = arith.constant 0 : i32
      %dma_start3A_10 = tpu.memref_slice %arg3[%mul3A_2, %dma_start3A_9] : memref<1280x125xi32, #tpu.memory_space<hbm>> -> memref<40x125xi32, #tpu.memory_space<hbm>>
      tpu.enqueue_dma source(%dma_start3A_10 : memref<40x125xi32, #tpu.memory_space<hbm>>) target(%arg5 : memref<40x125xi32, #tpu.memory_space<vmem>>) target_semaphore(%run_scoped3A : memref<!tpu.dma_semaphore, #tpu.memory_space<semaphore_mem>>)
      %dma_wait3A = arith.constant 0 : i32
      %dma_wait3A_11 = tpu.memref_slice %arg3[%mul3A_2, %dma_wait3A] : memref<1280x125xi32, #tpu.memory_space<hbm>> -> memref<40x125xi32, #tpu.memory_space<hbm>>
      %dma_wait3A_12 = arith.constant 0 : i32
      %dma_wait3A_13 = tpu.memref_slice %arg3[%mul3A_2, %dma_wait3A_12] : memref<1280x125xi32, #tpu.memory_space<hbm>> -> memref<40x125xi32, #tpu.memory_space<hbm>>
      tpu.wait_dma2 semaphore(%run_scoped3A : memref<!tpu.dma_semaphore, #tpu.memory_space<semaphore_mem>>) src(%dma_wait3A_13 : memref<40x125xi32, #tpu.memory_space<hbm>>) dst(%arg5 : memref<40x125xi32, #tpu.memory_space<vmem>>)
      tpu.yield
    }) : () -> ()
    %scan3A = arith.constant 0 : i32
    %scan3A_3 = arith.constant 0 : i32
    %scan3A_4 = arith.constant 40 : i32
    %scan3A_5 = arith.addi %scan3A_3, %scan3A_4 : i32
    %scan3A_6 = arith.constant 1 : i32
    scf.for %scan3A_8 = %scan3A_3 to %scan3A_5 step %scan3A_6  : i32 {
      %dma_start3A = arith.constant 0 : i32
      %dma_start3A_9 = tpu.memref_slice %arg5[%scan3A_8, %dma_start3A] : memref<40x125xi32, #tpu.memory_space<vmem>> -> memref<1x125xi32, #tpu.memory_space<vmem>>
      %dma_start3A_10 = tpu.memref_squeeze %dma_start3A_9 : memref<1x125xi32, #tpu.memory_space<vmem>> -> memref<125xi32, #tpu.memory_space<vmem>>
      %dma_start3A_11 = arith.constant 0 : i32
      %dma_start3A_12 = arith.constant 0 : i32
      %dma_start3A_13 = tpu.memref_slice %arg2[%dma_start3A_11, %dma_start3A_12] : memref<10000x32xf32, #tpu.memory_space<hbm>> -> memref<10000x32xf32, #tpu.memory_space<hbm>>
      tpu.enqueue_indirect_dma source(%dma_start3A_13 : memref<10000x32xf32, #tpu.memory_space<hbm>>) target(%arg6 : memref<125x32xf32, #tpu.memory_space<vmem>>) offsets(%dma_start3A_10 : memref<125xi32, #tpu.memory_space<vmem>>) semaphore(%arg7 : memref<!tpu.dma_semaphore, #tpu.memory_space<semaphore_mem>>)
      %dma_wait3A = arith.constant 0 : i32
      %dma_wait3A_14 = tpu.memref_slice %arg5[%scan3A_8, %dma_wait3A] : memref<40x125xi32, #tpu.memory_space<vmem>> -> memref<1x125xi32, #tpu.memory_space<vmem>>
      %dma_wait3A_15 = tpu.memref_squeeze %dma_wait3A_14 : memref<1x125xi32, #tpu.memory_space<vmem>> -> memref<125xi32, #tpu.memory_space<vmem>>
      %dma_wait3A_16 = arith.constant 0 : i32
      %dma_wait3A_17 = arith.constant 0 : i32
      %dma_wait3A_18 = tpu.memref_slice %arg2[%dma_wait3A_16, %dma_wait3A_17] : memref<10000x32xf32, #tpu.memory_space<hbm>> -> memref<10000x32xf32, #tpu.memory_space<hbm>>
      tpu.wait_indirect_dma semaphore(%arg7 : memref<!tpu.dma_semaphore, #tpu.memory_space<semaphore_mem>>) src(%dma_wait3A_18 : memref<10000x32xf32, #tpu.memory_space<hbm>>) dst(%arg6 : memref<125x32xf32, #tpu.memory_space<vmem>>)
      %mul3A_19 = arith.constant 5000 : i32
      %mul3A_20 = arith.muli %add3A, %mul3A_19 : i32
      %mul3A_21 = arith.constant 125 : i32
      %mul3A_22 = arith.muli %scan3A_8, %mul3A_21 : i32
      %add3A_23 = arith.addi %mul3A_20, %mul3A_22 : i32
      "tpu.region"() ({
        %run_scoped3A = tpu.sem_alloc : memref<!tpu.dma_semaphore, #tpu.memory_space<semaphore_mem>>
        %dma_start3A_24 = arith.constant 0 : i32
        %dma_start3A_25 = tpu.memref_slice %arg4[%add3A_23, %dma_start3A_24] : memref<160000x32xf32, #tpu.memory_space<hbm>> -> memref<125x32xf32, #tpu.memory_space<hbm>>
        %dma_start3A_26 = arith.constant 0 : i32
        %dma_start3A_27 = tpu.memref_slice %arg4[%add3A_23, %dma_start3A_26] : memref<160000x32xf32, #tpu.memory_space<hbm>> -> memref<125x32xf32, #tpu.memory_space<hbm>>
        tpu.enqueue_dma source(%arg6 : memref<125x32xf32, #tpu.memory_space<vmem>>) target(%dma_start3A_27 : memref<125x32xf32, #tpu.memory_space<hbm>>) target_semaphore(%run_scoped3A : memref<!tpu.dma_semaphore, #tpu.memory_space<semaphore_mem>>)
        %dma_wait3A_28 = arith.constant 0 : i32
        %dma_wait3A_29 = tpu.memref_slice %arg4[%add3A_23, %dma_wait3A_28] : memref<160000x32xf32, #tpu.memory_space<hbm>> -> memref<125x32xf32, #tpu.memory_space<hbm>>
        %dma_wait3A_30 = arith.constant 0 : i32
        %dma_wait3A_31 = tpu.memref_slice %arg4[%add3A_23, %dma_wait3A_30] : memref<160000x32xf32, #tpu.memory_space<hbm>> -> memref<125x32xf32, #tpu.memory_space<hbm>>
        tpu.wait_dma2 semaphore(%run_scoped3A : memref<!tpu.dma_semaphore, #tpu.memory_space<semaphore_mem>>) src(%arg6 : memref<125x32xf32, #tpu.memory_space<vmem>>) dst(%dma_wait3A_31 : memref<125x32xf32, #tpu.memory_space<hbm>>)
        tpu.yield
      }) : () -> ()
    }
    %scan3A_7 = arith.constant 40 : i32
    return
  }
}

</mosaic_0001>

<sc_bundles>
// kernel: _sc_gather.3.cloned.1.call-start
scs
__scs_entry_jumppad:
0x0: {  	(pc) =	sbr.rel $0x88, $3  }
0x1: {  	(tag) =	ssettag $0x0;
	lr =	simm.s32 $0x1  }
0x2: {  	[smem:$0x3F9F] =	sst lr;
	_ =	strace $0xD0000000  }
0x3: {  	_ = 	snop  }
0x4: {  	_ = 	snop  }
0x5: {  	_ = 	snop  }
0x6: {  	_ = 	snop  }
0x7: {  	_ = 	snop  }
__scs_overlays_trampoline_lowered:
0x8: {  	[smem:$0x3FAE] =	sst s0  }
0x9: {  	[smem:$0x3FAF] =	sst s1  }
0xa: {  	[smem:$0x3FB0] =	sst s2  }
0xb: {  	[smem:$0x3FB1] =	sst s3  }
0xc: {  	[smem:$0x3FB2] =	sst s4  }
0xd: {  	[smem:$0x3FB3] =	sst s5  }
0xe: {  	[smem:$0x3FB4] =	sst s6  }
0xf: {  	[smem:$0x3FB5] =	sst s7  }
0x10: {  	[smem:$0x3FB6] =	sst s8  }
0x11: {  	[smem:$0x3FB7] =	sst s9;
	s0 =	simm.s32 @!p0 $0x0  }
0x12: {  	s1 =	sld [smem:$0x3F9D];
	s0 =	simm.s32 @p0 $0x1  }
0x13: {  	[smem:$0x3FB8] =	sst s0;
	s0 =	simm.s32 @!p1 $0x0  }
0x14: {  	s2 =	sld [smem:$0x3F9C];
	s0 =	simm.s32 @p1 $0x1  }
0x15: {  	[smem:$0x3FB9] =	sst s0;
	s0 =	simm.s32 @!p2 $0x0  }
0x16: {  	s3 =	sld [smem:$0x3FDB];
	s0 =	simm.s32 @p2 $0x1  }
0x17: {  	s4 =	simm.s32 $0x1BF5;
	[smem:$0x3FBB] =	sst s0  }
0x18: {  	s0 =	sld [smem:$0x3F9E];
	_ =	swait.ge [sflag:s4], $0x0  }
0x19: {  	s7 =	sld [smem:$0x3F9F]  }
0x1a: {  	s8 =	sadd.s32 $0xFFFFE003, lr  }
0x1b: {  	s9 =	sadd.s32 $0xFFFFFEF7, lr;
	s5 =	simm.s32 $0xFFFFFFFF;
	p2 =	slt.u32 s8, $0xFFFFF086  }
0x1c: {  	p1 =	slt.u32 s9, $0xF7A;
	s5 =	simm.s32 @!p2 $0x0  }
0x1d: {  	s5 =	simm.s32 @p1 $0x1;
	p0 =	seq.s32 s7, s2  }
0x1e: {  	s7 =	smul.u32 @!p0 $0xF7A, s2;
	p2 =	seq.s32 @!p0 s5, $0x0  }
0x1f: {  	s9 =	smul.u32 $0xF7A, s1;
	s8 =	simm.s32 @!p0 $0x1BF5;
	p2 =	por !p2, p0  }
0x20: {  	[sflag:s8] =	ssyncset.s32 @!p0 $0xFFFFF086;
	s6 =	sadd.s32 @!p0 s3, s7;
	s7 =	simm.s32 @!p0 $0x108  }
0x21: {  	s3 =	sadd.s32 s3, s9;
	s6 =	sadd.s32 @!p0 $0x88, s6;
	s7 =	simm.s32 @p2 $0x1082  }
0x22: {  	[simem:s7], [sflag:s8] =	dma.local @!p0 [hbm:s6], $0xF7A  }
0x23: {  	s9 =	sor.u32 $0xD0000000, s2;
	s6 =	simm.s32 $0x108;
	_ =	swait.ge @!p0 [sflag:s8], $0x0  }
0x24: {  	s3 =	sadd.s32 $0x88, s3;
	s6 =	simm.s32 @!p1 $0x1082;
	[sflag:s4] =	ssyncset.s32 $0xFFFFF086  }
0x25: {  	[simem:s6], [sflag:s4] =	dma.local [hbm:s3], $0xF7A  }
0x26: {  	[smem:$0x3F9F] =	sst s1;
	(tag) =	ssettag s2;
	_ =	strace s9  }
0x27: {  	s1 =	sld [smem:$0x3FAF]  }
0x28: {  	s2 =	sld [smem:$0x3FB0]  }
0x29: {  	s4 =	sld [smem:$0x3FB2]  }
0x2a: {  	p0 =	seq.s32 s5, $0x0;
	s5 =	sld [smem:$0x3FB3]  }
0x2b: {  	s6 =	sld [smem:$0x3FB4]  }
0x2c: {  	s7 =	sld [smem:$0x3FB5]  }
0x2d: {  	s3 =	simm.s32 $0x108;
	s8 =	sld [smem:$0x3FB6]  }
0x2e: {  	s3 =	simm.s32 @!p0 $0x1082;
	s9 =	sld [smem:$0x3FB7]  }
0x2f: {  	lr =	sadd.s32 s0, s3;
	s0 =	sld [smem:$0x3FAE]  }
0x30: {  	s3 =	sld [smem:$0x3FB1]  }
0x31: {  	[smem:$0x3FBA] =	sst s10  }
0x32: {  	s10 =	sld [smem:$0x3FB8];
	_ =	sdelay $0x3  }
0x33: {  	p0 =	seq.s32 s10, $0x1;
	s10 =	sld [smem:$0x3FBA];
	_ =	sdelay $0x3  }
0x34: {  	[smem:$0x3FBA] =	sst s10  }
0x35: {  	s10 =	sld [smem:$0x3FB9];
	_ =	sdelay $0x3  }
0x36: {  	p1 =	seq.s32 s10, $0x1;
	s10 =	sld [smem:$0x3FBA];
	_ =	sdelay $0x3  }
0x37: {  	[smem:$0x3FBA] =	sst s10  }
0x38: {  	s10 =	sld [smem:$0x3FBB]  }
0x39: {  	_ = 	snop;
	(pc) =	sbr.ind lr, $3  }
0x3a: {  	_ = 	snop  }
0x3b: {  	_ = 	snop  }
0x3c: {  	p2 =	seq.s32 s10, $0x1;
	s10 =	sld [smem:$0x3FBA]  }
0x3d: {  	_ =	shalt  }
0x3e: {  	_ =	shalt  }
0x3f: {  	_ =	shalt  }
0x40: {  	_ =	shalt  }
0x41: {  	_ =	shalt  }
0x42: {  	_ =	shalt  }
0x43: {  	_ =	shalt  }
0x44: {  	_ =	shalt  }
0x45: {  	_ =	shalt  }
0x46: {  	_ =	shalt  }
0x47: {  	_ =	shalt  }
0x48: {  	_ =	shalt  }
0x49: {  	_ =	shalt  }
0x4a: {  	_ =	shalt  }
0x4b: {  	_ =	shalt  }
0x4c: {  	_ =	shalt  }
0x4d: {  	_ =	shalt  }
0x4e: {  	_ =	shalt  }
0x4f: {  	_ =	shalt  }
0x50: {  	_ =	shalt  }
0x51: {  	_ =	shalt  }
0x52: {  	_ =	shalt  }
0x53: {  	_ =	shalt  }
0x54: {  	_ =	shalt  }
0x55: {  	_ =	shalt  }
0x56: {  	_ =	shalt  }
0x57: {  	_ =	shalt  }
0x58: {  	_ =	shalt  }
0x59: {  	_ =	shalt  }
0x5a: {  	_ =	shalt  }
0x5b: {  	_ =	shalt  }
0x5c: {  	_ =	shalt  }
0x5d: {  	_ =	shalt  }
0x5e: {  	_ =	shalt  }
0x5f: {  	_ =	shalt  }
0x60: {  	_ =	shalt  }
0x61: {  	_ =	shalt  }
0x62: {  	_ =	shalt  }
0x63: {  	_ =	shalt  }
0x64: {  	_ =	shalt  }
0x65: {  	_ =	shalt  }
0x66: {  	_ =	shalt  }
0x67: {  	_ =	shalt  }
0x68: {  	_ =	shalt  }
0x69: {  	_ =	shalt  }
0x6a: {  	_ =	shalt  }
0x6b: {  	_ =	shalt  }
0x6c: {  	_ =	shalt  }
0x6d: {  	_ =	shalt  }
0x6e: {  	_ =	shalt  }
0x6f: {  	_ =	shalt  }
0x70: {  	_ =	shalt  }
0x71: {  	_ =	shalt  }
0x72: {  	_ =	shalt  }
0x73: {  	_ =	shalt  }
0x74: {  	_ =	shalt  }
0x75: {  	_ =	shalt  }
0x76: {  	_ =	shalt  }
0x77: {  	_ =	shalt  }
0x78: {  	_ =	shalt  }
0x79: {  	_ =	shalt  }
0x7a: {  	_ =	shalt  }
0x7b: {  	_ =	shalt  }
0x7c: {  	_ =	shalt  }
0x7d: {  	_ =	shalt  }
0x7e: {  	_ =	shalt  }
0x7f: {  	_ =	shalt  }
0x80: {  	_ =	shalt  }
0x81: {  	_ =	shalt  }
0x82: {  	_ =	shalt  }
0x83: {  	_ =	shalt  }
0x84: {  	_ =	shalt  }
0x85: {  	_ =	shalt  }
0x86: {  	_ =	shalt  }
0x87: {  	_ =	shalt  }
.Lfunc_end0:
.L_simem_size_0:
called_computation_lowered:
.L_overlay_start_0:
0x88: {  	s2 =	sld [smem:$0x3FD9]  }
0x89: {  	s3 =	sld [smem:$0x3FFE];
	_ =	sdelay $0x1  }
0x8a: {  	s1 =	srdreg.scid  }
0x8b: {  	s0 =	sand.u32 $0x1, s1  }
0x8c: {  	s17 =	sshll.u32 s0, $0xA;
	s2 =	sadd.s32 s3, s2  }
0x8d: {  	s2 =	sadd.s32 s2, s17  }
0x8e: {  	[smem:$0x3FC6] =	sst s2  }
0x8f: {  	_ = 	snop  }
0x90: {  	s2 =	sld [smem:$0x3FD0];
	(tm) =	ssettm $0x1  }
0x91: {  	s18 =	sld [smem:$0x3FFB];
	_ =	sdelay $0x3  }
0x92: {  	_ =	strace s18  }
0x93: {  	s3 =	sld [smem:$0x3FFC];
	_ =	sdelay $0x3  }
0x94: {  	_ =	strace s3  }
0x95: {  	s3 =	sld [smem:$0x3FFD];
	_ =	sdelay $0x3  }
0x96: {  	_ =	strace s3  }
0x97: {  	_ =	strace $0x8FFFFFFF  }
0x98: {  	s19 =	sld [smem:$0x3FDB];
	_ =	sdelay $0x1  }
0x99: {  	s4 =	simm.s32 $_scs_section_size  }
0x9a: {  	s5 =	simm.s32 $_size__tile_overlayer_lowered;
	s6 =	simm.s32 $_tile_overlayer_lowered  }
0x9b: {  	s22 =	simm.s32 $0x1BFF;
	s21 =	sshll.u32 s6, $0x1;
	s3 =	sadd.s32 s4, s19  }
0x9c: {  	s7 =	simm.s32 $0x0;
	s20 =	sshll.u32 s5, $0x1;
	s5 =	sadd.s32 s21, s3  }
0x9d: {  	[timem:s7], [sflag:s22] =	dma.local [hbm:s5], s20  }
0x9e: {  	_ =	swait.ge [sflag:s22], s20  }
0x9f: {  	s4 =	ssub.s32 $0x0, s20;
	[sflag:s22] =	ssyncset.done $0x0  }
0xa0: {  	[sflag:s22] =	ssyncadd.s32 s4;
	_ =	sdelay $0x1  }
0xa1: {  	s23 =	simm.s32 $0x1B8B  }
0xa2: {  	_ =	swait.ge [sflag:s23], $0x1  }
0xa3: {  	[sflag:s23] =	ssyncset.done $0x0  }
0xa4: {  	s25 =	simm.s32 $0x1B8E;
	s24 =	sld [smem:$0x3FFE];
	[sflag:s23] =	ssyncadd.s32 $0xFFFFFFFF  }
0xa5: {  	s26 =	simm.s32 $execute0_lowered;
	[smem:$0x3FD2] =	sst s25  }
0xa6: {  	s5 =	sshll.u32 s26, $0x1;
	_ =	strace $0x80000046;
	[dreg:$0x1] =	wrdreg $0xFFFFFFFF  }
0xa7: {  	s28 =	simm.s32 $_size_execute0_lowered;
	s3 =	sadd.s32 s3, s5;
	[dreg:$0x0] =	wrdreg $0x0  }
0xa8: {  	s5 =	sshll.u32 s28, $0x1;
	[dreg:$0x2] =	wrdreg s3  }
0xa9: {  	[dreg:$0x3] =	wrdreg s5  }
0xaa: {  	[dreg:$0x4] =	wrdreg $0xC0  }
0xab: {  	_ =	task [dreg:s7], $0x5FFFF  }
0xac: {  	[dreg:$0x1] =	wrdreg $0xFFFFFFFF  }
0xad: {  	[dreg:$0x0] =	wrdreg $0x60  }
0xae: {  	[dreg:$0x2] =	wrdreg s24  }
0xaf: {  	[dreg:$0x3] =	wrdreg s2  }
0xb0: {  	[dreg:$0x4] =	wrdreg $0x9  }
0xb1: {  	_ =	task.clear_ibuf [dreg:s7], $0x5FFFF;
	_ =	strace $0x90000046  }
0xb2: {  	s29 =	simm.s32 $0x9;
	_ =	strace $0x80000048  }
0xb3: {  	_ =	swait.ge [sflag:s29], $0x1  }
0xb4: {  	[sflag:s29] =	ssyncadd.s32 $0xFFFFFFFF  }
0xb5: {  	_ =	strace $0x90000048  }
0xb6: {  	_ =	sfence  }
0xb7: {  	s30 =	sld [smem:$0x0];
	_ =	sdelay $0x2  }
0xb8: {  	s31 =	sshll.u32 s1, $0xD;
	s1 =	sshrl.u32 s1, $0x2  }
0xb9: {  	s3 =	sand.u32 $0x4000, s31;
	s1 =	sadd.s32 s1, s30  }
0xba: {  	s0 =	sor.u32 s3, s0;
	s1 =	sshll.u32 s1, $0x11  }
0xbb: {  	s0 =	sor.u32 s1, s0  }
0xbc: {  	s0 =	sadd.s32 $0x8F2B, s0  }
0xbd: {  	[sflag:s0] =	ssyncadd.remote.s32 $0x1  }
0xbe: {  	_ =	sfence.sel $0xFFFF  }
0xbf: {  	[dreg:$0x0] =	wrdreg $0xFFFFFFFF;
	(pc) =	sbr.abs _section_cstart, $3  }
0xc0: {  	[dreg:$0x1] =	wrdreg $0xFFFFFFFF  }
0xc1: {  	_ =	task.clear_ibuf [dreg:s7], $0x2FFFF;
	_ =	strace $0x9FFFFFFF  }
0xc2: {  	(tm) =	ssettm $0x7FFFFFFF  }
0xc3: {  	_ =	shalt  }
tec
execute0_lowered:
.L_overlay_start_1:
0x0: {  	(tag) =	ssettag $0x1  }
0x1: {  	s4 =	rddreg [dreg:$0x0]  }
0x2: {  	s6 =	rddreg [dreg:$0x1]  }
0x3: {  	s0 =	rddreg [dreg:$0x2];
	s3 =	srdreg.scid  }
0x4: {  	s1 =	stileid.u32;
	s2 =	simm.s32 $0x0;
	s11 =	simm.s32 $0x0  }
0x5: {  	s5 =	sand.u32 $0x1, s3;
	s29 =	sshll.u32 s1, $0x1;
	s10 =	smul.u32 $0x9C40, s1  }
0x6: {  	[smem:$0x7FF] =	sst s2;
	s3 =	sor.u32 s5, s29;
	s31 =	smul.u32 $0x4E20, s5  }
0x7: {  	_ =	strace $0x80000047;
	s8 =	ssub.s32 $0x2, s5;
	s7 =	smul.u32 $0x280, s3  }
0x8: {  	s3 =	sadd.s32 $0x400, s4;
	s9 =	sshrl.u32 s8, $0x1;
	s6 =	sadd.s32 s10, s6  }
0x9: {  	s10 =	simm.s32 $0x1;
	s30 =	ssub.s32 s8, s9;
	s6 =	sadd.s32 s31, s6  }
0xa: {  	s8 =	simm.s32 $0x7D;
	s9 =	simm.s32 $0x1400;
	s4 =	sadd.s32 s7, s4  }
0xb: {  	s5 =	smax.u32 s30, $0x1;
	s7 =	simm.s32 $0x2;
	s4 =	sadd.s32 $0xA200, s4  }
.LBB2_1:
0xc: {  	[tilespmem:s2], [sflag:$0x2] =	stream.linear.gather [hbm4b:s4+s2], $0x1400, $0x38;
	[tilespmem:$0x23A0] =	vst v63  }
0xd: {  	_ =	swait.ge [sflag:s7], $0x1400  }
0xe: {  	[sflag:s7] =	ssyncset.done $0x0  }
0xf: {  	s12 =	simm.s32 $0x0;
	[sflag:s7] =	ssyncadd.s32 $0xFFFFEC00  }
0x10: {  	[tilespmem:s9], [sflag:$0x1] =	stream.indirect.gather [hbm4b:s3+s8], $0x20, s12, s8, $0xb8;
	[tilespmem:$0x23A0] =	vst v63  }
0x11: {  	_ =	swait.ge [sflag:s10], $0xFA0  }
0x12: {  	[sflag:s10] =	ssyncset.done $0x0  }
0x13: {  	[sflag:s10] =	ssyncadd.s32 $0xFFFFF060  }
0x14: {  	[hbm4b:s6+s2] =	stream.linear.scatter [tilespmem:s9], [sflag:$0x2], $0xFA0, $0x38;
	[tilespmem:$0x23A0] =	vst v63  }
0x15: {  	s13 =	simm.s32 $0x200;
	_ =	swait.ge [sflag:s7], $0xFA0  }
0x16: {  	s14 =	simm.s32 $0x400;
	s12 =	sadd.s32 $0x1F4, s6;
	[sflag:s7] =	ssyncset.done $0x0  }
.LBB2_2:
0x17: {  	s15 =	sshra.s32 s13, $0x2  }
0x18: {  	[sflag:s7] =	ssyncadd.s32 $0xFFFFF060;
	s13 =	smov.u32 s14;
	s16 =	sadd.s32 $0x200, s14  }
0x19: {  	[tilespmem:s9], [sflag:$0x1] =	stream.indirect.gather [hbm4b:s3+s8], $0x20, s15, s8, $0xb8;
	[tilespmem:$0x23A0] =	vst v63  }
0x1a: {  	p0 =	sne.s32 s14, $0x4E00;
	_ =	swait.ge [sflag:s10], $0xFA0  }
.Ltmp0:
0x1b: {  	[sflag:s10] =	ssyncset.done $0x0;
	(pc) =	sbr.rel @p0 .LBB2_2-.Ltmp0, $4  }
0x1c: {  	[sflag:s10] =	ssyncadd.s32 $0xFFFFF060  }
0x1d: {  	[hbm4b:s12+s2] =	stream.linear.scatter [tilespmem:s9], [sflag:$0x2], $0xFA0, $0x38;
	[tilespmem:$0x23A0] =	vst v63  }
0x1e: {  	_ =	swait.ge [sflag:s7], $0xFA0  }
0x1f: {  	s14 =	smov.u32 s16;
	s12 =	sadd.s32 $0x1F4, s12;
	[sflag:s7] =	ssyncset.done $0x0  }
0x20: {  	s13 =	sshra.s32 s13, $0x2;
	[sflag:s7] =	ssyncadd.s32 $0xFFFFF060  }
0x21: {  	[tilespmem:s9], [sflag:$0x1] =	stream.indirect.gather [hbm4b:s3+s8], $0x20, s13, s8, $0xb8;
	[tilespmem:$0x23A0] =	vst v63  }
0x22: {  	s11 =	sadd.s32 $0x1, s11;
	_ =	swait.ge [sflag:s10], $0xFA0  }
0x23: {  	p0 =	sne.s32 s11, s5;
	[sflag:s10] =	ssyncset.done $0x0  }
.Ltmp1:
0x24: {  	[sflag:s10] =	ssyncadd.s32 $0xFFFFF060;
	(pc) =	sbr.rel @p0 .LBB2_1-.Ltmp1, $4  }
0x25: {  	[hbm4b:s12+s2] =	stream.linear.scatter [tilespmem:s9], [sflag:$0x2], $0xFA0, $0x38;
	[tilespmem:$0x23A0] =	vst v63  }
0x26: {  	_ =	swait.ge [sflag:s7], $0xFA0  }
0x27: {  	[sflag:s7] =	ssyncset.done $0x0  }
0x28: {  	[sflag:s7] =	ssyncadd.s32 $0xFFFFF060  }
0x29: {  	_ =	sfence.sel $0x180000  }
0x2a: {  	[bflag:$0x0] =	sbarrier.arrive $0xFFFF  }
0x2b: {  	p0 =	sne.s32 s1, $0x0;
	_ =	strace $0x90000047  }
0x2c: {  	s0 =	sadd.s32 @!p0 $0x100000, s0;
	[bflag:$0x2] =	sbarrier.arrive $0xFFFF  }
0x2d: {  	[sflag:s0] =	ssyncadd.tile.s32 @!p0 $0x1;
	_ =	shalt  }
.Lfunc_end2:
_tile_overlayer_lowered:
.L_overlay_start_2:
0x2e: {  	(tag) =	ssettag $0x2  }
0x2f: {  	s0 =	rddreg [dreg:$0x0];
	s2 =	stileid.u32  }
0x30: {  	s1 =	rddreg [dreg:$0x1];
	p0 =	sne.s32 s2, $0x0  }
0x31: {  	s3 =	rddreg [dreg:$0x2];
	[bflag:$0x3] =	sbarrier.arrive $0xFFFF;
	s2 =	simm.s32 @!p0 $0x1C02  }
0x32: {  	[timem:s3], [sflag:s2] =	dma.local @!p0 [hbm:s0], s1  }
0x33: {  	s0 =	simm.s32 @!p0 $0x2  }
0x34: {  	_ =	swait.ge @!p0 [sflag:s0], s1  }
0x35: {  	s1 =	ssub.s32 @!p0 $0x0, s1;
	[sflag:s0] =	ssyncset.done @!p0 $0x0  }
0x36: {  	[sflag:s0] =	ssyncadd.s32 @!p0 s1  }
0x37: {  	[bflag:$0x3] =	sbarrier.arrive $0xFFFF  }
0x38: {  	_ =	shalt  }

</sc_bundles>
